<compile_context>
chip_gen: v7x
topology: tpu7x:2x2x1
jax: 0.10.2.dev20260603
libtpu: 0.0.44.dev20260713+nightly
codegen_flags: <defaults>
</compile_context>

<pallas_src>
import functools

import jax
import jax.numpy as jnp
from jax import lax
from jax.experimental import pallas as pl
from jax.experimental.pallas import tpu as pltpu
from jax.experimental.pallas import tpu_sc as plsc

B, A, NBH, DIN, F, NB = 8, 1250, 32, 128, 128, 50
CUTOFF = 1.0
ROWS = B * A * NBH

_NC, _NS = 2, 16
_NW = _NC * _NS
_BPW = ROWS // _NW
_CH = 80
_NCHUNK = _BPW // _CH
_WPB = _NW // B

_BLK = 250
_ABLK = A // _BLK


def _sc_gather(table, idx):
    width = table.shape[1]
    mesh = plsc.VectorSubcoreMesh(core_axis_name="c", subcore_axis_name="s")

    @functools.partial(
        pl.kernel,
        mesh=mesh,
        out_type=jax.ShapeDtypeStruct((ROWS, width), table.dtype),
        scratch_types=[
            pltpu.VMEM((_BPW,), jnp.int32),
            pltpu.VMEM((_CH, width), table.dtype),
            pltpu.VMEM((_CH, width), table.dtype),
            pltpu.SemaphoreType.DMA,
            pltpu.SemaphoreType.DMA,
            pltpu.SemaphoreType.DMA,
            pltpu.SemaphoreType.DMA,
        ],
    )
    def gather_kernel(table_hbm, idx_hbm, out_hbm, idx_v, rows0, rows1,
                      sg0, sg1, sw0, sw1):
        wid = lax.axis_index("s") * _NC + lax.axis_index("c")
        base = wid * _BPW
        boff = (wid // _WPB) * A

        pltpu.sync_copy(idx_hbm.at[pl.ds(base, _BPW)], idx_v)

        @pl.loop(0, _BPW // 16)
        def _(j):
            idx_v[pl.ds(j * 16, 16)] = idx_v[pl.ds(j * 16, 16)] + boff

        rows = (rows0, rows1)
        sg = (sg0, sg1)
        sw = (sw0, sw1)

        def start_gather(c, k):
            pltpu.async_copy(
                table_hbm.at[idx_v.at[pl.ds(c * _CH, _CH)]], rows[k], sg[k])

        def wait_gather(c, k):
            pltpu.make_async_copy(
                table_hbm.at[idx_v.at[pl.ds(c * _CH, _CH)]], rows[k],
                sg[k]).wait()

        def start_write(c, k):
            pltpu.async_copy(rows[k], out_hbm.at[pl.ds(base + c * _CH, _CH)],
                             sw[k])

        def wait_write(k):
            pltpu.make_async_copy(rows[k], out_hbm.at[pl.ds(base, _CH)],
                                  sw[k]).wait()

        start_gather(0, 0)

        @pl.loop(0, _NCHUNK, step=2)
        def _(c):
            for k in (0, 1):
                cc = c + k
                other = 1 - k

                @pl.when(cc < _NCHUNK)
                def _():
                    @pl.when(cc + 1 < _NCHUNK)
                    def _():
                        @pl.when(cc >= 1)
                        def _():
                            wait_write(other)

                        start_gather(cc + 1, other)

                    wait_gather(cc, k)
                    start_write(cc, k)

        wait_write(0)
        wait_write(1)

    return gather_kernel(table, idx)


def _tc_body(x_ref, e_ref, t_ref, r_ref, pm_ref, f_ref, xn_ref,
             w1_ref, b1_ref, w2_ref, b2_ref, wq_ref, wkt_ref, wv_ref, wo_ref,
             wf_ref, m_ref):
    f32 = jnp.float32
    ff = 2.0 * f_ref[0].reshape(_BLK * NBH, NB) - 1.0
    h = jnp.dot(ff, w1_ref[...], preferred_element_type=f32) + b1_ref[...]
    h = jnp.maximum(h, 0.0) + jnp.log1p(jnp.exp(-jnp.abs(h))) - jnp.log(2.0)
    wf = jnp.dot(h, w2_ref[...], preferred_element_type=f32) + b2_ref[...]
    r = r_ref[0]
    cut = 0.5 * (jnp.cos(jnp.pi * r / CUTOFF) + 1.0) * (r < CUTOFF).astype(f32)
    wf = wf.reshape(_BLK, NBH, F) * cut[:, :, None]
    wf_ref[...] = wf[None]

    x = x_ref[0]
    xc = x + e_ref[0] + t_ref[0]
    q = jnp.dot(xc, wq_ref[...], preferred_element_type=f32)
    p = jnp.dot(q, wkt_ref[...], preferred_element_type=f32)
    vs = jnp.dot(x, wv_ref[...], preferred_element_type=f32)
    xn = xn_ref[...]
    vn = jnp.dot(xn, wv_ref[...], preferred_element_type=f32).reshape(_BLK, NBH, F)
    vn = vn * wf

    inv = 1.0 / jnp.sqrt(f32(F))
    sn = jnp.sum(p[:, None, :] * xn.reshape(_BLK, NBH, F), axis=-1) * inv
    ss = jnp.sum(p * x, axis=-1, keepdims=True) * inv
    sn = jnp.where(pm_ref[0] * cut > 0.0, sn, -1e9)
    mx = jnp.maximum(jnp.max(sn, axis=-1, keepdims=True), ss)
    en = jnp.exp(sn - mx)
    es = jnp.exp(ss - mx)
    den = es + jnp.sum(en, axis=-1, keepdims=True)
    attn_n = en / den
    attn_s = es / den
    mpre = attn_s * vs + jnp.sum(attn_n[:, :, None] * vn, axis=1)
    m_ref[...] = jnp.dot(mpre, wo_ref[...], preferred_element_type=f32)[None]


_atom3 = lambda n: pl.BlockSpec((1, _BLK, n), lambda b, j: (b * _ABLK + j, 0, 0))
_full = lambda shape: pl.BlockSpec(shape, lambda b, j: tuple(0 for _ in shape))
_wf4 = pl.BlockSpec((1, _BLK, NBH, F), lambda b, j: (b, j, 0, 0))


def _tc_call(interpret=False):
    return pl.pallas_call(
        _tc_body,
        grid=(B, _ABLK),
        in_specs=[
            _atom3(DIN),
            _atom3(DIN),
            pl.BlockSpec((1, 1, DIN), lambda b, j: (b, 0, 0)),
            _atom3(NBH),
            _atom3(NBH),
            pl.BlockSpec((1, _BLK, NBH, NB), lambda b, j: (b, j, 0, 0)),
            pl.BlockSpec((_BLK * NBH, DIN), lambda b, j: (b * _ABLK + j, 0)),
            _full((NB, F)),
            _full((F,)),
            _full((F, F)),
            _full((F,)),
            _full((DIN, F)),
            _full((F, DIN)),
            _full((DIN, F)),
            _full((F, F)),
        ],
        out_specs=[
            _wf4,
            _atom3(F),
        ],
        out_shape=[
            jax.ShapeDtypeStruct((B, A, NBH, F), jnp.float32),
            jax.ShapeDtypeStruct((B * _ABLK, _BLK, F), jnp.float32),
        ],
        interpret=interpret,
    )


def kernel(e, x, t, r_ij, neighbors, pairwise_mask, f_ij, W1, b1, W2, b2, Wq, Wk, Wv, Wo):
    x2d = x.reshape(B * A, DIN)
    idx = neighbors.reshape(ROWS)
    nb = B * _ABLK
    x3 = x.reshape(nb, _BLK, DIN)
    e3 = e.reshape(nb, _BLK, DIN)
    r3 = r_ij.reshape(nb, _BLK, NBH)
    pm3 = pairwise_mask.reshape(nb, _BLK, NBH)

    xn = _sc_gather(x2d, idx)
    wf, m = _tc_call()(
        x3, e3, t.reshape(B, 1, DIN), r3, pm3, f_ij, xn,
        W1, b1, W2, b2, Wq, Wk.T, Wv, Wo)
    return m.reshape(B, A, F), wf

# --- scband reference (transcript-rebuilt; emitter-appended) ---
"""Pipeline reference for scband-mpnn-9216999817552 (READ-ONLY COPY).

The authoritative reference and input builder live on the scoring server;
editing this copy changes nothing except your own understanding.
"""

import jax, jax.numpy as jnp
import numpy as np

B, A, NBH, DIN, F, NB = 8, 1250, 32, 128, 128, 50
CUTOFF = 1.0

def _ssp(u):
    return jnp.logaddexp(u, 0.0) - jnp.log(2.0)

def setup_inputs(seed: int = 0):
    key = jax.random.key(seed)
    ks = jax.random.split(key, 16)
    s = 0.05
    inp = {
        "e": jax.random.normal(ks[0], (B, A, DIN), jnp.float32),
        "x": jax.random.normal(ks[1], (B, A, DIN), jnp.float32),
        "t": jax.random.normal(ks[2], (B, DIN), jnp.float32),
        "r_ij": jax.random.uniform(ks[3], (B, A, NBH), jnp.float32),
        "neighbors": jax.random.randint(ks[4], (B, A, NBH), 0, A, jnp.int32),
        "pairwise_mask": jnp.ones((B, A, NBH), jnp.float32),
        "f_ij": jax.random.uniform(ks[5], (B, A, NBH, NB), jnp.float32),
        "W1": jax.random.normal(ks[6], (NB, F), jnp.float32) * s,
        "b1": jnp.zeros((F,), jnp.float32),
        "W2": jax.random.normal(ks[7], (F, F), jnp.float32) * s,
        "b2": jnp.zeros((F,), jnp.float32),
        "Wq": jax.random.normal(ks[8], (DIN, F), jnp.float32) * s,
        "Wk": jax.random.normal(ks[9], (DIN, F), jnp.float32) * s,
        "Wv": jax.random.normal(ks[10], (DIN, F), jnp.float32) * s,
        "Wo": jax.random.normal(ks[11], (F, F), jnp.float32) * s,
    }
    return inp

def reference(e, x, t, r_ij, neighbors, pairwise_mask, f_ij, W1, b1, W2, b2, Wq, Wk, Wv, Wo):
    # filter network: 2-layer MLP with shifted softplus on expanded distances
    Wf = 2.0 * f_ij - 1.0
    Wf = _ssp(Wf @ W1 + b1) @ W2 + b2
    # cosine cutoff network
    C = 0.5 * (jnp.cos(jnp.pi * r_ij / CUTOFF) + 1.0) * (r_ij < CUTOFF).astype(r_ij.dtype)
    C = C[..., None]
    Wf = Wf * C
    # neighbor gather (torch.gather translation)
    nbh = neighbors.reshape(B, A * NBH, 1)
    nbh = jnp.broadcast_to(nbh, (B, A * NBH, DIN))
    y = jnp.take_along_axis(x, nbh, axis=1).reshape(B, A, NBH, DIN)
    y = jnp.concatenate([x[:, :, None, :], y], axis=-2)  # prepend self (y_ii)
    # attention network over the (self + neighbors) axis, conditioned on e and t
    xc = x + e + t[:, None, :]
    q = xc @ Wq
    k = y @ Wk
    v = y @ Wv
    Wpad = jnp.concatenate([jnp.ones((B, A, 1, F), Wf.dtype), Wf], axis=-2)
    v = v * Wpad
    scores = jnp.einsum("baf,banf->ban", q, k) / jnp.sqrt(jnp.float32(F))
    mask = jnp.concatenate([jnp.ones((B, A, 1), r_ij.dtype), pairwise_mask * C[..., 0]], axis=-1)
    scores = jnp.where(mask > 0.0, scores, -1e9)
    attn = jax.nn.softmax(scores, axis=-1)
    m = jnp.einsum("ban,banf->baf", attn, v) @ Wo
    return (m, Wf)

if __name__ == "__main__":
    import jax
    _d = setup_inputs()
    print(jax.jit(kernel)(*tuple(_d.values())))

</pallas_src>

<mosaic_0001>
#map = affine_map<(d0, d1) -> (0, 0)>
#map1 = affine_map<(d0, d1) -> (0)>
module attributes {stable_mosaic.version = 14 : i64} {
  func.func @gather_kernel(%arg0: i32, %arg1: i32, %arg2: memref<10000x128xf32, #tpu.memory_space<hbm>>, %arg3: memref<320000xi32, #tpu.memory_space<hbm>>, %arg4: memref<320000x128xf32, #tpu.memory_space<hbm>>, %arg5: memref<10000xi32, #tpu.memory_space<vmem>>, %arg6: memref<80x128xf32, #tpu.memory_space<vmem>>, %arg7: memref<80x128xf32, #tpu.memory_space<vmem>>, %arg8: memref<!tpu.dma_semaphore, #tpu.memory_space<semaphore_mem>>, %arg9: memref<!tpu.dma_semaphore, #tpu.memory_space<semaphore_mem>>, %arg10: memref<!tpu.dma_semaphore, #tpu.memory_space<semaphore_mem>>, %arg11: memref<!tpu.dma_semaphore, #tpu.memory_space<semaphore_mem>>) attributes {dimension_semantics = [#tpu.dimension_semantics<core_parallel>, #tpu.dimension_semantics<subcore_parallel>], iteration_bounds = array<i64: 2, 16>, scalar_prefetch = 0 : i64, scratch_operands = 7 : i64, tpu.core_type = #tpu.core_type<sc_vector_subcore>, window_params = [{transform_indices = #map}, {transform_indices = #map1}, {transform_indices = #map}]} {
    %mul3A = arith.constant 2 : i32
    %mul3A_0 = arith.muli %arg1, %mul3A : i32
    %add3A = arith.addi %mul3A_0, %arg0 : i32
    %mul3A_1 = arith.constant 10000 : i32
    %mul3A_2 = arith.muli %add3A, %mul3A_1 : i32
    %jit3A = arith.constant 4 : i32
    %div3A = arith.divsi %add3A, %jit3A : i32
    %sign3A = arith.constant 0 : i32
    %sign3A_3 = arith.cmpi sgt, %add3A, %sign3A : i32
    %sign3A_4 = arith.extui %sign3A_3 : i1 to i32
    %sign3A_5 = arith.constant 0 : i32
    %sign3A_6 = arith.cmpi slt, %add3A, %sign3A_5 : i32
    %sign3A_7 = arith.extui %sign3A_6 : i1 to i32
    %sign3A_8 = arith.subi %sign3A_4, %sign3A_7 : i32
    %sign3A_9 = arith.constant 0 : i32
    %sign3A_10 = arith.cmpi sgt, %jit3A, %sign3A_9 : i32
    %sign3A_11 = arith.extui %sign3A_10 : i1 to i32
    %sign3A_12 = arith.constant 0 : i32
    %sign3A_13 = arith.cmpi slt, %jit3A, %sign3A_12 : i32
    %sign3A_14 = arith.extui %sign3A_13 : i1 to i32
    %sign3A_15 = arith.subi %sign3A_11, %sign3A_14 : i32
    %ne3A = arith.cmpi ne, %sign3A_8, %sign3A_15 : i32
    %rem3A = arith.remsi %add3A, %jit3A : i32
    %ne3A_16 = arith.constant 0 : i32
    %ne3A_17 = arith.cmpi ne, %rem3A, %ne3A_16 : i32
    %and3A = arith.andi %ne3A, %ne3A_17 : i1
    %sub3A = arith.constant 1 : i32
    %sub3A_18 = arith.subi %div3A, %sub3A : i32
    %select_n3A = arith.select %and3A, %sub3A_18, %div3A : i32
    %mul3A_19 = arith.constant 1250 : i32
    %mul3A_20 = arith.muli %select_n3A, %mul3A_19 : i32
    "tpu.region"() ({
      %run_scoped3A = tpu.sem_alloc : memref<!tpu.dma_semaphore, #tpu.memory_space<semaphore_mem>>
      %dma_start3A_41 = tpu.memref_slice %arg3[%mul3A_2] : memref<320000xi32, #tpu.memory_space<hbm>> -> memref<10000xi32, #tpu.memory_space<hbm>>
      %dma_start3A_42 = tpu.memref_slice %arg3[%mul3A_2] : memref<320000xi32, #tpu.memory_space<hbm>> -> memref<10000xi32, #tpu.memory_space<hbm>>
      tpu.enqueue_dma source(%dma_start3A_42 : memref<10000xi32, #tpu.memory_space<hbm>>) target(%arg5 : memref<10000xi32, #tpu.memory_space<vmem>>) target_semaphore(%run_scoped3A : memref<!tpu.dma_semaphore, #tpu.memory_space<semaphore_mem>>)
      %dma_wait3A_43 = tpu.memref_slice %arg3[%mul3A_2] : memref<320000xi32, #tpu.memory_space<hbm>> -> memref<10000xi32, #tpu.memory_space<hbm>>
      %dma_wait3A_44 = tpu.memref_slice %arg3[%mul3A_2] : memref<320000xi32, #tpu.memory_space<hbm>> -> memref<10000xi32, #tpu.memory_space<hbm>>
      tpu.wait_dma2 semaphore(%run_scoped3A : memref<!tpu.dma_semaphore, #tpu.memory_space<semaphore_mem>>) src(%dma_wait3A_44 : memref<10000xi32, #tpu.memory_space<hbm>>) dst(%arg5 : memref<10000xi32, #tpu.memory_space<vmem>>)
      tpu.yield
    }) : () -> ()
    %scan3A = arith.constant 0 : i32
    %scan3A_21 = arith.constant 625 : i32
    %scan3A_22 = arith.addi %scan3A, %scan3A_21 : i32
    %scan3A_23 = arith.constant 1 : i32
    scf.for %scan3A_41 = %scan3A to %scan3A_22 step %scan3A_23  : i32 {
      %mul3A_42 = arith.constant 1 : i32
      %mul3A_43 = arith.muli %scan3A_41, %mul3A_42 : i32
      %add3A_44 = arith.constant 0 : i32
      %add3A_45 = arith.addi %add3A_44, %mul3A_43 : i32
      %mul3A_46 = arith.constant 16 : i32
      %mul3A_47 = arith.muli %add3A_45, %mul3A_46 : i32
      %get3A = arith.index_cast %mul3A_47 : i32 to index
      %get3A_48 = tpu.vector_load %arg5[%get3A] {strides = array<i32>} : memref<10000xi32, #tpu.memory_space<vmem>>, vector<16xi32>,
      %get3A_49 = vector.shape_cast %get3A_48 : vector<16xi32> to vector<16xi32>
      %add3A_50 = vector.broadcast %mul3A_20 : i32 to vector<16xi32>
      %add3A_51 = arith.addi %get3A_49, %add3A_50 : vector<16xi32>
      %mul3A_52 = arith.constant 16 : i32
      %mul3A_53 = arith.muli %add3A_45, %mul3A_52 : i32
      %swap3A = arith.index_cast %mul3A_53 : i32 to index
      %swap3A_54 = tpu.vector_load %arg5[%swap3A] {strides = array<i32>} : memref<10000xi32, #tpu.memory_space<vmem>>, vector<16xi32>,
      %swap3A_55 = vector.shape_cast %swap3A_54 : vector<16xi32> to vector<16xi32>
      %swap3A_56 = vector.shape_cast %add3A_51 : vector<16xi32> to vector<16xi32>
      tpu.vector_store %arg5[%swap3A], %swap3A_56 {strides = array<i32>} : memref<10000xi32, #tpu.memory_space<vmem>>, vector<16xi32>,
    }
    %scan3A_24 = arith.constant 625 : i32
    %dma_start3A = arith.constant 0 : i32
    %dma_start3A_25 = tpu.memref_slice %arg5[%dma_start3A] : memref<10000xi32, #tpu.memory_space<vmem>> -> memref<80xi32, #tpu.memory_space<vmem>>
    %dma_start3A_26 = arith.constant 0 : i32
    %dma_start3A_27 = arith.constant 0 : i32
    %dma_start3A_28 = tpu.memref_slice %arg2[%dma_start3A_26, %dma_start3A_27] : memref<10000x128xf32, #tpu.memory_space<hbm>> -> memref<10000x128xf32, #tpu.memory_space<hbm>>
    tpu.enqueue_indirect_dma source(%dma_start3A_28 : memref<10000x128xf32, #tpu.memory_space<hbm>>) target(%arg6 : memref<80x128xf32, #tpu.memory_space<vmem>>) offsets(%dma_start3A_25 : memref<80xi32, #tpu.memory_space<vmem>>) semaphore(%arg8 : memref<!tpu.dma_semaphore, #tpu.memory_space<semaphore_mem>>)
    %scan3A_29 = arith.constant 0 : i32
    %scan3A_30 = arith.constant 63 : i32
    %scan3A_31 = arith.addi %scan3A_29, %scan3A_30 : i32
    %scan3A_32 = arith.constant 1 : i32
    scf.for %scan3A_41 = %scan3A_29 to %scan3A_31 step %scan3A_32  : i32 {
      %mul3A_42 = arith.constant 2 : i32
      %mul3A_43 = arith.muli %scan3A_41, %mul3A_42 : i32
      %add3A_44 = arith.constant 0 : i32
      %add3A_45 = arith.addi %add3A_44, %mul3A_43 : i32
      %add3A_46 = arith.constant 0 : i32
      %add3A_47 = arith.addi %add3A_45, %add3A_46 : i32
      %lt3A = arith.constant 125 : i32
      %lt3A_48 = arith.cmpi slt, %add3A_47, %lt3A : i32
      %convert_element_type3A = arith.extui %lt3A_48 : i1 to i32
      %cond3A = arith.constant 0 : i32
      %cond3A_49 = arith.cmpi ne, %convert_element_type3A, %cond3A : i32
      scf.if %cond3A_49 {
        %add3A_57 = arith.constant 1 : i32
        %add3A_58 = arith.addi %add3A_47, %add3A_57 : i32
        %lt3A_59 = arith.constant 125 : i32
        %lt3A_60 = arith.cmpi slt, %add3A_58, %lt3A_59 : i32
        %convert_element_type3A_61 = arith.extui %lt3A_60 : i1 to i32
        %cond3A_62 = arith.constant 0 : i32
        %cond3A_63 = arith.cmpi ne, %convert_element_type3A_61, %cond3A_62 : i32
        scf.if %cond3A_63 {
          %ge3A = arith.constant 1 : i32
          %ge3A_77 = arith.cmpi sge, %add3A_47, %ge3A : i32
          %convert_element_type3A_78 = arith.extui %ge3A_77 : i1 to i32
          %cond3A_79 = arith.constant 0 : i32
          %cond3A_80 = arith.cmpi ne, %convert_element_type3A_78, %cond3A_79 : i32
          scf.if %cond3A_80 {
            %dma_wait3A_89 = arith.constant 0 : i32
            %dma_wait3A_90 = tpu.memref_slice %arg4[%mul3A_2, %dma_wait3A_89] : memref<320000x128xf32, #tpu.memory_space<hbm>> -> memref<80x128xf32, #tpu.memory_space<hbm>>
            %dma_wait3A_91 = arith.constant 0 : i32
            %dma_wait3A_92 = tpu.memref_slice %arg4[%mul3A_2, %dma_wait3A_91] : memref<320000x128xf32, #tpu.memory_space<hbm>> -> memref<80x128xf32, #tpu.memory_space<hbm>>
            tpu.wait_dma2 semaphore(%arg11 : memref<!tpu.dma_semaphore, #tpu.memory_space<semaphore_mem>>) src(%arg7 : memref<80x128xf32, #tpu.memory_space<vmem>>) dst(%dma_wait3A_92 : memref<80x128xf32, #tpu.memory_space<hbm>>)
          } else {
          }
          %add3A_81 = arith.constant 1 : i32
          %add3A_82 = arith.addi %add3A_47, %add3A_81 : i32
          %mul3A_83 = arith.constant 80 : i32
          %mul3A_84 = arith.muli %add3A_82, %mul3A_83 : i32
          %dma_start3A_85 = tpu.memref_slice %arg5[%mul3A_84] : memref<10000xi32, #tpu.memory_space<vmem>> -> memref<80xi32, #tpu.memory_space<vmem>>
          %dma_start3A_86 = arith.constant 0 : i32
          %dma_start3A_87 = arith.constant 0 : i32
          %dma_start3A_88 = tpu.memref_slice %arg2[%dma_start3A_86, %dma_start3A_87] : memref<10000x128xf32, #tpu.memory_space<hbm>> -> memref<10000x128xf32, #tpu.memory_space<hbm>>
          tpu.enqueue_indirect_dma source(%dma_start3A_88 : memref<10000x128xf32, #tpu.memory_space<hbm>>) target(%arg7 : memref<80x128xf32, #tpu.memory_space<vmem>>) offsets(%dma_start3A_85 : memref<80xi32, #tpu.memory_space<vmem>>) semaphore(%arg9 : memref<!tpu.dma_semaphore, #tpu.memory_space<semaphore_mem>>)
        } else {
        }
        %mul3A_64 = arith.constant 80 : i32
        %mul3A_65 = arith.muli %add3A_47, %mul3A_64 : i32
        %dma_wait3A_66 = tpu.memref_slice %arg5[%mul3A_65] : memref<10000xi32, #tpu.memory_space<vmem>> -> memref<80xi32, #tpu.memory_space<vmem>>
        %dma_wait3A_67 = arith.constant 0 : i32
        %dma_wait3A_68 = arith.constant 0 : i32
        %dma_wait3A_69 = tpu.memref_slice %arg2[%dma_wait3A_67, %dma_wait3A_68] : memref<10000x128xf32, #tpu.memory_space<hbm>> -> memref<10000x128xf32, #tpu.memory_space<hbm>>
        tpu.wait_indirect_dma semaphore(%arg8 : memref<!tpu.dma_semaphore, #tpu.memory_space<semaphore_mem>>) src(%dma_wait3A_69 : memref<10000x128xf32, #tpu.memory_space<hbm>>) dst(%arg6 : memref<80x128xf32, #tpu.memory_space<vmem>>)
        %mul3A_70 = arith.constant 80 : i32
        %mul3A_71 = arith.muli %add3A_47, %mul3A_70 : i32
        %add3A_72 = arith.addi %mul3A_2, %mul3A_71 : i32
        %dma_start3A_73 = arith.constant 0 : i32
        %dma_start3A_74 = tpu.memref_slice %arg4[%add3A_72, %dma_start3A_73] : memref<320000x128xf32, #tpu.memory_space<hbm>> -> memref<80x128xf32, #tpu.memory_space<hbm>>
        %dma_start3A_75 = arith.constant 0 : i32
        %dma_start3A_76 = tpu.memref_slice %arg4[%add3A_72, %dma_start3A_75] : memref<320000x128xf32, #tpu.memory_space<hbm>> -> memref<80x128xf32, #tpu.memory_space<hbm>>
        tpu.enqueue_dma source(%arg6 : memref<80x128xf32, #tpu.memory_space<vmem>>) target(%dma_start3A_76 : memref<80x128xf32, #tpu.memory_space<hbm>>) target_semaphore(%arg10 : memref<!tpu.dma_semaphore, #tpu.memory_space<semaphore_mem>>)
      } else {
      }
      %add3A_50 = arith.constant 1 : i32
      %add3A_51 = arith.addi %add3A_45, %add3A_50 : i32
      %lt3A_52 = arith.constant 125 : i32
      %lt3A_53 = arith.cmpi slt, %add3A_51, %lt3A_52 : i32
      %convert_element_type3A_54 = arith.extui %lt3A_53 : i1 to i32
      %cond3A_55 = arith.constant 0 : i32
      %cond3A_56 = arith.cmpi ne, %convert_element_type3A_54, %cond3A_55 : i32
      scf.if %cond3A_56 {
        %add3A_57 = arith.constant 1 : i32
        %add3A_58 = arith.addi %add3A_51, %add3A_57 : i32
        %lt3A_59 = arith.constant 125 : i32
        %lt3A_60 = arith.cmpi slt, %add3A_58, %lt3A_59 : i32
        %convert_element_type3A_61 = arith.extui %lt3A_60 : i1 to i32
        %cond3A_62 = arith.constant 0 : i32
        %cond3A_63 = arith.cmpi ne, %convert_element_type3A_61, %cond3A_62 : i32
        scf.if %cond3A_63 {
          %ge3A = arith.constant 1 : i32
          %ge3A_77 = arith.cmpi sge, %add3A_51, %ge3A : i32
          %convert_element_type3A_78 = arith.extui %ge3A_77 : i1 to i32
          %cond3A_79 = arith.constant 0 : i32
          %cond3A_80 = arith.cmpi ne, %convert_element_type3A_78, %cond3A_79 : i32
          scf.if %cond3A_80 {
            %dma_wait3A_89 = arith.constant 0 : i32
            %dma_wait3A_90 = tpu.memref_slice %arg4[%mul3A_2, %dma_wait3A_89] : memref<320000x128xf32, #tpu.memory_space<hbm>> -> memref<80x128xf32, #tpu.memory_space<hbm>>
            %dma_wait3A_91 = arith.constant 0 : i32
            %dma_wait3A_92 = tpu.memref_slice %arg4[%mul3A_2, %dma_wait3A_91] : memref<320000x128xf32, #tpu.memory_space<hbm>> -> memref<80x128xf32, #tpu.memory_space<hbm>>
            tpu.wait_dma2 semaphore(%arg10 : memref<!tpu.dma_semaphore, #tpu.memory_space<semaphore_mem>>) src(%arg6 : memref<80x128xf32, #tpu.memory_space<vmem>>) dst(%dma_wait3A_92 : memref<80x128xf32, #tpu.memory_space<hbm>>)
          } else {
          }
          %add3A_81 = arith.constant 1 : i32
          %add3A_82 = arith.addi %add3A_51, %add3A_81 : i32
          %mul3A_83 = arith.constant 80 : i32
          %mul3A_84 = arith.muli %add3A_82, %mul3A_83 : i32
          %dma_start3A_85 = tpu.memref_slice %arg5[%mul3A_84] : memref<10000xi32, #tpu.memory_space<vmem>> -> memref<80xi32, #tpu.memory_space<vmem>>
          %dma_start3A_86 = arith.constant 0 : i32
          %dma_start3A_87 = arith.constant 0 : i32
          %dma_start3A_88 = tpu.memref_slice %arg2[%dma_start3A_86, %dma_start3A_87] : memref<10000x128xf32, #tpu.memory_space<hbm>> -> memref<10000x128xf32, #tpu.memory_space<hbm>>
          tpu.enqueue_indirect_dma source(%dma_start3A_88 : memref<10000x128xf32, #tpu.memory_space<hbm>>) target(%arg6 : memref<80x128xf32, #tpu.memory_space<vmem>>) offsets(%dma_start3A_85 : memref<80xi32, #tpu.memory_space<vmem>>) semaphore(%arg8 : memref<!tpu.dma_semaphore, #tpu.memory_space<semaphore_mem>>)
        } else {
        }
        %mul3A_64 = arith.constant 80 : i32
        %mul3A_65 = arith.muli %add3A_51, %mul3A_64 : i32
        %dma_wait3A_66 = tpu.memref_slice %arg5[%mul3A_65] : memref<10000xi32, #tpu.memory_space<vmem>> -> memref<80xi32, #tpu.memory_space<vmem>>
        %dma_wait3A_67 = arith.constant 0 : i32
        %dma_wait3A_68 = arith.constant 0 : i32
        %dma_wait3A_69 = tpu.memref_slice %arg2[%dma_wait3A_67, %dma_wait3A_68] : memref<10000x128xf32, #tpu.memory_space<hbm>> -> memref<10000x128xf32, #tpu.memory_space<hbm>>
        tpu.wait_indirect_dma semaphore(%arg9 : memref<!tpu.dma_semaphore, #tpu.memory_space<semaphore_mem>>) src(%dma_wait3A_69 : memref<10000x128xf32, #tpu.memory_space<hbm>>) dst(%arg7 : memref<80x128xf32, #tpu.memory_space<vmem>>)
        %mul3A_70 = arith.constant 80 : i32
        %mul3A_71 = arith.muli %add3A_51, %mul3A_70 : i32
        %add3A_72 = arith.addi %mul3A_2, %mul3A_71 : i32
        %dma_start3A_73 = arith.constant 0 : i32
        %dma_start3A_74 = tpu.memref_slice %arg4[%add3A_72, %dma_start3A_73] : memref<320000x128xf32, #tpu.memory_space<hbm>> -> memref<80x128xf32, #tpu.memory_space<hbm>>
        %dma_start3A_75 = arith.constant 0 : i32
        %dma_start3A_76 = tpu.memref_slice %arg4[%add3A_72, %dma_start3A_75] : memref<320000x128xf32, #tpu.memory_space<hbm>> -> memref<80x128xf32, #tpu.memory_space<hbm>>
        tpu.enqueue_dma source(%arg7 : memref<80x128xf32, #tpu.memory_space<vmem>>) target(%dma_start3A_76 : memref<80x128xf32, #tpu.memory_space<hbm>>) target_semaphore(%arg11 : memref<!tpu.dma_semaphore, #tpu.memory_space<semaphore_mem>>)
      } else {
      }
    }
    %scan3A_33 = arith.constant 63 : i32
    %dma_wait3A = arith.constant 0 : i32
    %dma_wait3A_34 = tpu.memref_slice %arg4[%mul3A_2, %dma_wait3A] : memref<320000x128xf32, #tpu.memory_space<hbm>> -> memref<80x128xf32, #tpu.memory_space<hbm>>
    %dma_wait3A_35 = arith.constant 0 : i32
    %dma_wait3A_36 = tpu.memref_slice %arg4[%mul3A_2, %dma_wait3A_35] : memref<320000x128xf32, #tpu.memory_space<hbm>> -> memref<80x128xf32, #tpu.memory_space<hbm>>
    tpu.wait_dma2 semaphore(%arg10 : memref<!tpu.dma_semaphore, #tpu.memory_space<semaphore_mem>>) src(%arg6 : memref<80x128xf32, #tpu.memory_space<vmem>>) dst(%dma_wait3A_36 : memref<80x128xf32, #tpu.memory_space<hbm>>)
    %dma_wait3A_37 = arith.constant 0 : i32
    %dma_wait3A_38 = tpu.memref_slice %arg4[%mul3A_2, %dma_wait3A_37] : memref<320000x128xf32, #tpu.memory_space<hbm>> -> memref<80x128xf32, #tpu.memory_space<hbm>>
    %dma_wait3A_39 = arith.constant 0 : i32
    %dma_wait3A_40 = tpu.memref_slice %arg4[%mul3A_2, %dma_wait3A_39] : memref<320000x128xf32, #tpu.memory_space<hbm>> -> memref<80x128xf32, #tpu.memory_space<hbm>>
    tpu.wait_dma2 semaphore(%arg11 : memref<!tpu.dma_semaphore, #tpu.memory_space<semaphore_mem>>) src(%arg7 : memref<80x128xf32, #tpu.memory_space<vmem>>) dst(%dma_wait3A_40 : memref<80x128xf32, #tpu.memory_space<hbm>>)
    return
  }
}

module attributes {stable_mosaic.version = 14 : i64} {
  func.func @_tc_body(%arg0: i32, %arg1: i32, %arg2: memref<1x250x128xf32, #tpu.memory_space<vmem>>, %arg3: memref<1x250x128xf32, #tpu.memory_space<vmem>>, %arg4: memref<1x1x128xf32, #tpu.memory_space<vmem>>, %arg5: memref<1x250x32xf32, #tpu.memory_space<vmem>>, %arg6: memref<1x250x32xf32, #tpu.memory_space<vmem>>, %arg7: memref<1x250x32x50xf32, #tpu.memory_space<vmem>>, %arg8: memref<8000x128xf32, #tpu.memory_space<vmem>>, %arg9: memref<50x128xf32, #tpu.memory_space<vmem>>, %arg10: memref<128xf32, #tpu.memory_space<vmem>>, %arg11: memref<128x128xf32, #tpu.memory_space<vmem>>, %arg12: memref<128xf32, #tpu.memory_space<vmem>>, %arg13: memref<128x128xf32, #tpu.memory_space<vmem>>, %arg14: memref<128x128xf32, #tpu.memory_space<vmem>>, %arg15: memref<128x128xf32, #tpu.memory_space<vmem>>, %arg16: memref<128x128xf32, #tpu.memory_space<vmem>>, %arg17: memref<1x250x32x128xf32, #tpu.memory_space<vmem>>, %arg18: memref<1x250x128xf32, #tpu.memory_space<vmem>>) attributes {dimension_semantics = [#tpu.dimension_semantics<arbitrary>, #tpu.dimension_semantics<arbitrary>], iteration_bounds = array<i64: 8, 5>, scalar_prefetch = 0 : i64, scratch_operands = 0 : i64, tpu.core_type = #tpu.core_type<tc>, window_params = [{transform_indices = @transform_0, window_bounds = array<i64: 1, 250, 128>}, {transform_indices = @transform_1, window_bounds = array<i64: 1, 250, 128>}, {transform_indices = @transform_2, window_bounds = array<i64: 1, 1, 128>}, {transform_indices = @transform_3, window_bounds = array<i64: 1, 250, 32>}, {transform_indices = @transform_4, window_bounds = array<i64: 1, 250, 32>}, {transform_indices = @transform_5, window_bounds = array<i64: 1, 250, 32, 50>}, {transform_indices = @transform_6, window_bounds = array<i64: 8000, 128>}, {pipeline_mode = #tpu.pipeline_mode<synchronous>, transform_indices = @transform_7, window_bounds = array<i64: 50, 128>}, {pipeline_mode = #tpu.pipeline_mode<synchronous>, transform_indices = @transform_8, window_bounds = array<i64: 128>}, {pipeline_mode = #tpu.pipeline_mode<synchronous>, transform_indices = @transform_9, window_bounds = array<i64: 128, 128>}, {pipeline_mode = #tpu.pipeline_mode<synchronous>, transform_indices = @transform_10, window_bounds = array<i64: 128>}, {pipeline_mode = #tpu.pipeline_mode<synchronous>, transform_indices = @transform_11, window_bounds = array<i64: 128, 128>}, {pipeline_mode = #tpu.pipeline_mode<synchronous>, transform_indices = @transform_12, window_bounds = array<i64: 128, 128>}, {pipeline_mode = #tpu.pipeline_mode<synchronous>, transform_indices = @transform_13, window_bounds = array<i64: 128, 128>}, {pipeline_mode = #tpu.pipeline_mode<synchronous>, transform_indices = @transform_14, window_bounds = array<i64: 128, 128>}, {transform_indices = @transform_15, window_bounds = array<i64: 1, 250, 32, 128>}, {transform_indices = @transform_16, window_bounds = array<i64: 1, 250, 128>}]} {
    %get3A = arith.constant 0 : index
    %get3A_0 = arith.constant 0 : index
    %get3A_1 = arith.constant 0 : index
    %get3A_2 = arith.constant 0 : index
    %get3A_3 = vector.load %arg7[%get3A, %get3A_0, %get3A_1, %get3A_2] : memref<1x250x32x50xf32, #tpu.memory_space<vmem>>, vector<1x250x32x50xf32>
    %get3A_4 = vector.shape_cast %get3A_3 : vector<1x250x32x50xf32> to vector<250x32x50xf32>
    %reshape3A = vector.shape_cast %get3A_4 : vector<250x32x50xf32> to vector<8000x50xf32>
    %mul3A = arith.constant 2.000000e+00 : f32
    %mul3A_5 = vector.broadcast %mul3A : f32 to vector<8000x50xf32>
    %mul3A_6 = arith.mulf %mul3A_5, %reshape3A : vector<8000x50xf32>
    %sub3A = arith.constant 1.000000e+00 : f32
    %sub3A_7 = vector.broadcast %sub3A : f32 to vector<8000x50xf32>
    %sub3A_8 = arith.subf %mul3A_6, %sub3A_7 : vector<8000x50xf32>
    %get3A_9 = arith.constant 0 : index
    %get3A_10 = arith.constant 0 : index
    %get3A_11 = vector.load %arg9[%get3A_9, %get3A_10] : memref<50x128xf32, #tpu.memory_space<vmem>>, vector<50x128xf32>
    %dot_general3A = arith.constant dense<0.000000e+00> : vector<8000x128xf32>
    %dot_general3A_12 = tpu.matmul %sub3A_8, %get3A_11, %dot_general3A {dimension_numbers = #tpu.dot_dimension_numbers<[1], [0], [0], [1], [0, 0, 1, 1], [], []>, transpose_lhs_hint = false} : vector<8000x50xf32>, vector<50x128xf32>, vector<8000x128xf32> -> vector<8000x128xf32>
    %get3A_13 = arith.constant 0 : index
    %get3A_14 = vector.load %arg10[%get3A_13] : memref<128xf32, #tpu.memory_space<vmem>>, vector<128xf32>
    %broadcast_in_dim3A = vector.shape_cast %get3A_14 : vector<128xf32> to vector<1x128xf32>
    %add3A = vector.broadcast %broadcast_in_dim3A : vector<1x128xf32> to vector<8000x128xf32>
    %add3A_15 = arith.addf %dot_general3A_12, %add3A : vector<8000x128xf32>
    %max3A = arith.constant 0.000000e+00 : f32
    %max3A_16 = vector.broadcast %max3A : f32 to vector<8000x128xf32>
    %max3A_17 = arith.maximumf %add3A_15, %max3A_16 : vector<8000x128xf32>
    %abs3A = math.absf %add3A_15 : vector<8000x128xf32>
    %neg3A = arith.constant 0.000000e+00 : f32
    %neg3A_18 = vector.broadcast %neg3A : f32 to vector<8000x128xf32>
    %neg3A_19 = arith.subf %neg3A_18, %abs3A : vector<8000x128xf32>
    %exp3A = math.exp %neg3A_19 : vector<8000x128xf32>
    %log1p3A = math.log1p %exp3A : vector<8000x128xf32>
    %add3A_20 = arith.addf %max3A_17, %log1p3A : vector<8000x128xf32>
    %log3A = arith.constant 2.000000e+00 : f32
    %log3A_21 = math.log %log3A : f32
    %sub3A_22 = vector.broadcast %log3A_21 : f32 to vector<8000x128xf32>
    %sub3A_23 = arith.subf %add3A_20, %sub3A_22 : vector<8000x128xf32>
    %get3A_24 = arith.constant 0 : index
    %get3A_25 = arith.constant 0 : index
    %get3A_26 = vector.load %arg11[%get3A_24, %get3A_25] : memref<128x128xf32, #tpu.memory_space<vmem>>, vector<128x128xf32>
    %dot_general3A_27 = arith.constant dense<0.000000e+00> : vector<8000x128xf32>
    %dot_general3A_28 = tpu.matmul %sub3A_23, %get3A_26, %dot_general3A_27 {dimension_numbers = #tpu.dot_dimension_numbers<[1], [0], [0], [1], [0, 0, 1, 1], [], []>, transpose_lhs_hint = false} : vector<8000x128xf32>, vector<128x128xf32>, vector<8000x128xf32> -> vector<8000x128xf32>
    %get3A_29 = arith.constant 0 : index
    %get3A_30 = vector.load %arg12[%get3A_29] : memref<128xf32, #tpu.memory_space<vmem>>, vector<128xf32>
    %broadcast_in_dim3A_31 = vector.shape_cast %get3A_30 : vector<128xf32> to vector<1x128xf32>
    %add3A_32 = vector.broadcast %broadcast_in_dim3A_31 : vector<1x128xf32> to vector<8000x128xf32>
    %add3A_33 = arith.addf %dot_general3A_28, %add3A_32 : vector<8000x128xf32>
    %get3A_34 = arith.constant 0 : index
    %get3A_35 = arith.constant 0 : index
    %get3A_36 = arith.constant 0 : index
    %get3A_37 = vector.load %arg5[%get3A_34, %get3A_35, %get3A_36] : memref<1x250x32xf32, #tpu.memory_space<vmem>>, vector<1x250x32xf32>
    %get3A_38 = vector.shape_cast %get3A_37 : vector<1x250x32xf32> to vector<250x32xf32>
    %mul3A_39 = arith.constant 3.14159274 : f32
    %mul3A_40 = vector.broadcast %mul3A_39 : f32 to vector<250x32xf32>
    %mul3A_41 = arith.mulf %mul3A_40, %get3A_38 : vector<250x32xf32>
    %div3A = arith.constant 1.000000e+00 : f32
    %div3A_42 = vector.broadcast %div3A : f32 to vector<250x32xf32>
    %div3A_43 = arith.divf %mul3A_41, %div3A_42 : vector<250x32xf32>
    %cos3A = math.cos %div3A_43 : vector<250x32xf32>
    %add3A_44 = arith.constant 1.000000e+00 : f32
    %add3A_45 = vector.broadcast %add3A_44 : f32 to vector<250x32xf32>
    %add3A_46 = arith.addf %cos3A, %add3A_45 : vector<250x32xf32>
    %mul3A_47 = arith.constant 5.000000e-01 : f32
    %mul3A_48 = vector.broadcast %mul3A_47 : f32 to vector<250x32xf32>
    %mul3A_49 = arith.mulf %mul3A_48, %add3A_46 : vector<250x32xf32>
    %lt3A = arith.constant 1.000000e+00 : f32
    %lt3A_50 = vector.broadcast %lt3A : f32 to vector<250x32xf32>
    %lt3A_51 = arith.cmpf olt, %get3A_38, %lt3A_50 : vector<250x32xf32>
    %convert_element_type3A = arith.extui %lt3A_51 : vector<250x32xi1> to vector<250x32xi32>
    %convert_element_type3A_52 = arith.sitofp %convert_element_type3A : vector<250x32xi32> to vector<250x32xf32>
    %mul3A_53 = arith.mulf %mul3A_49, %convert_element_type3A_52 : vector<250x32xf32>
    %reshape3A_54 = vector.shape_cast %add3A_33 : vector<8000x128xf32> to vector<250x32x128xf32>
    %broadcast_in_dim3A_55 = vector.shape_cast %mul3A_53 : vector<250x32xf32> to vector<250x32x1xf32>
    %mul3A_56 = vector.broadcast %broadcast_in_dim3A_55 : vector<250x32x1xf32> to vector<250x32x128xf32>
    %mul3A_57 = arith.mulf %reshape3A_54, %mul3A_56 : vector<250x32x128xf32>
    %broadcast_in_dim3A_58 = vector.shape_cast %mul3A_57 : vector<250x32x128xf32> to vector<1x250x32x128xf32>
    %swap3A = arith.constant 0 : index
    %swap3A_59 = arith.constant 0 : index
    %swap3A_60 = arith.constant 0 : index
    %swap3A_61 = arith.constant 0 : index
    %swap3A_62 = vector.load %arg17[%swap3A, %swap3A_59, %swap3A_60, %swap3A_61] : memref<1x250x32x128xf32, #tpu.memory_space<vmem>>, vector<1x250x32x128xf32>
    tpu.vector_store %arg17[%swap3A, %swap3A_59, %swap3A_60, %swap3A_61], %broadcast_in_dim3A_58 {strides = array<i32>} : memref<1x250x32x128xf32, #tpu.memory_space<vmem>>, vector<1x250x32x128xf32>,
    %get3A_63 = arith.constant 0 : index
    %get3A_64 = arith.constant 0 : index
    %get3A_65 = arith.constant 0 : index
    %get3A_66 = vector.load %arg2[%get3A_63, %get3A_64, %get3A_65] : memref<1x250x128xf32, #tpu.memory_space<vmem>>, vector<1x250x128xf32>
    %get3A_67 = vector.shape_cast %get3A_66 : vector<1x250x128xf32> to vector<250x128xf32>
    %get3A_68 = arith.constant 0 : index
    %get3A_69 = arith.constant 0 : index
    %get3A_70 = arith.constant 0 : index
    %get3A_71 = vector.load %arg3[%get3A_68, %get3A_69, %get3A_70] : memref<1x250x128xf32, #tpu.memory_space<vmem>>, vector<1x250x128xf32>
    %get3A_72 = vector.shape_cast %get3A_71 : vector<1x250x128xf32> to vector<250x128xf32>
    %add3A_73 = arith.addf %get3A_67, %get3A_72 : vector<250x128xf32>
    %get3A_74 = arith.constant 0 : index
    %get3A_75 = arith.constant 0 : index
    %get3A_76 = arith.constant 0 : index
    %get3A_77 = vector.load %arg4[%get3A_74, %get3A_75, %get3A_76] : memref<1x1x128xf32, #tpu.memory_space<vmem>>, vector<1x1x128xf32>
    %get3A_78 = vector.shape_cast %get3A_77 : vector<1x1x128xf32> to vector<1x128xf32>
    %add3A_79 = vector.broadcast %get3A_78 : vector<1x128xf32> to vector<250x128xf32>
    %add3A_80 = arith.addf %add3A_73, %add3A_79 : vector<250x128xf32>
    %get3A_81 = arith.constant 0 : index
    %get3A_82 = arith.constant 0 : index
    %get3A_83 = vector.load %arg13[%get3A_81, %get3A_82] : memref<128x128xf32, #tpu.memory_space<vmem>>, vector<128x128xf32>
    %dot_general3A_84 = arith.constant dense<0.000000e+00> : vector<250x128xf32>
    %dot_general3A_85 = tpu.matmul %add3A_80, %get3A_83, %dot_general3A_84 {dimension_numbers = #tpu.dot_dimension_numbers<[1], [0], [0], [1], [0, 0, 1, 1], [], []>, transpose_lhs_hint = false} : vector<250x128xf32>, vector<128x128xf32>, vector<250x128xf32> -> vector<250x128xf32>
    %get3A_86 = arith.constant 0 : index
    %get3A_87 = arith.constant 0 : index
    %get3A_88 = vector.load %arg14[%get3A_86, %get3A_87] : memref<128x128xf32, #tpu.memory_space<vmem>>, vector<128x128xf32>
    %dot_general3A_89 = arith.constant dense<0.000000e+00> : vector<250x128xf32>
    %dot_general3A_90 = tpu.matmul %dot_general3A_85, %get3A_88, %dot_general3A_89 {dimension_numbers = #tpu.dot_dimension_numbers<[1], [0], [0], [1], [0, 0, 1, 1], [], []>, transpose_lhs_hint = false} : vector<250x128xf32>, vector<128x128xf32>, vector<250x128xf32> -> vector<250x128xf32>
    %get3A_91 = arith.constant 0 : index
    %get3A_92 = arith.constant 0 : index
    %get3A_93 = vector.load %arg15[%get3A_91, %get3A_92] : memref<128x128xf32, #tpu.memory_space<vmem>>, vector<128x128xf32>
    %dot_general3A_94 = arith.constant dense<0.000000e+00> : vector<250x128xf32>
    %dot_general3A_95 = tpu.matmul %get3A_67, %get3A_93, %dot_general3A_94 {dimension_numbers = #tpu.dot_dimension_numbers<[1], [0], [0], [1], [0, 0, 1, 1], [], []>, transpose_lhs_hint = false} : vector<250x128xf32>, vector<128x128xf32>, vector<250x128xf32> -> vector<250x128xf32>
    %get3A_96 = arith.constant 0 : index
    %get3A_97 = arith.constant 0 : index
    %get3A_98 = vector.load %arg8[%get3A_96, %get3A_97] : memref<8000x128xf32, #tpu.memory_space<vmem>>, vector<8000x128xf32>
    %get3A_99 = arith.constant 0 : index
    %get3A_100 = arith.constant 0 : index
    %get3A_101 = vector.load %arg15[%get3A_99, %get3A_100] : memref<128x128xf32, #tpu.memory_space<vmem>>, vector<128x128xf32>
    %dot_general3A_102 = arith.constant dense<0.000000e+00> : vector<8000x128xf32>
    %dot_general3A_103 = tpu.matmul %get3A_98, %get3A_101, %dot_general3A_102 {dimension_numbers = #tpu.dot_dimension_numbers<[1], [0], [0], [1], [0, 0, 1, 1], [], []>, transpose_lhs_hint = false} : vector<8000x128xf32>, vector<128x128xf32>, vector<8000x128xf32> -> vector<8000x128xf32>
    %reshape3A_104 = vector.shape_cast %dot_general3A_103 : vector<8000x128xf32> to vector<250x32x128xf32>
    %mul3A_105 = arith.mulf %reshape3A_104, %mul3A_57 : vector<250x32x128xf32>
    %sqrt3A = arith.constant 1.280000e+02 : f32
    %sqrt3A_106 = math.sqrt %sqrt3A : f32
    %div3A_107 = arith.constant 1.000000e+00 : f32
    %div3A_108 = arith.divf %div3A_107, %sqrt3A_106 : f32
    %broadcast_in_dim3A_109 = vector.shape_cast %dot_general3A_90 : vector<250x128xf32> to vector<250x1x128xf32>
    %reshape3A_110 = vector.shape_cast %get3A_98 : vector<8000x128xf32> to vector<250x32x128xf32>
    %mul3A_111 = vector.broadcast %broadcast_in_dim3A_109 : vector<250x1x128xf32> to vector<250x32x128xf32>
    %mul3A_112 = arith.mulf %mul3A_111, %reshape3A_110 : vector<250x32x128xf32>
    %reduce_sum3A = arith.constant dense<0.000000e+00> : vector<250x32xf32>
    %reduce_sum3A_113 = vector.multi_reduction <add>, %mul3A_112, %reduce_sum3A [2] : vector<250x32x128xf32> to vector<250x32xf32>
    %mul3A_114 = vector.broadcast %div3A_108 : f32 to vector<250x32xf32>
    %mul3A_115 = arith.mulf %reduce_sum3A_113, %mul3A_114 : vector<250x32xf32>
    %mul3A_116 = arith.mulf %dot_general3A_90, %get3A_67 : vector<250x128xf32>
    %reduce_sum3A_117 = arith.constant dense<0.000000e+00> : vector<250xf32>
    %reduce_sum3A_118 = vector.multi_reduction <add>, %mul3A_116, %reduce_sum3A_117 [1] : vector<250x128xf32> to vector<250xf32>
    %broadcast_in_dim3A_119 = vector.shape_cast %reduce_sum3A_118 : vector<250xf32> to vector<250x1xf32>
    %mul3A_120 = vector.broadcast %div3A_108 : f32 to vector<250x1xf32>
    %mul3A_121 = arith.mulf %broadcast_in_dim3A_119, %mul3A_120 : vector<250x1xf32>
    %get3A_122 = arith.constant 0 : index
    %get3A_123 = arith.constant 0 : index
    %get3A_124 = arith.constant 0 : index
    %get3A_125 = vector.load %arg6[%get3A_122, %get3A_123, %get3A_124] : memref<1x250x32xf32, #tpu.memory_space<vmem>>, vector<1x250x32xf32>
    %get3A_126 = vector.shape_cast %get3A_125 : vector<1x250x32xf32> to vector<250x32xf32>
    %mul3A_127 = arith.mulf %get3A_126, %mul3A_53 : vector<250x32xf32>
    %gt3A = arith.constant 0.000000e+00 : f32
    %gt3A_128 = vector.broadcast %gt3A : f32 to vector<250x32xf32>
    %gt3A_129 = arith.cmpf ogt, %mul3A_127, %gt3A_128 : vector<250x32xf32>
    %jit3A = arith.constant -1.000000e+09 : f32
    %broadcast_in_dim3A_130 = vector.broadcast %jit3A : f32 to vector<250x32xf32>
    %select_n3A = arith.select %gt3A_129, %mul3A_115, %broadcast_in_dim3A_130 : vector<250x32xi1>, vector<250x32xf32>
    %reduce_max3A = arith.constant dense<0xFF800000> : vector<250xf32>
    %reduce_max3A_131 = vector.multi_reduction <maximumf>, %select_n3A, %reduce_max3A [1] : vector<250x32xf32> to vector<250xf32>
    %broadcast_in_dim3A_132 = vector.shape_cast %reduce_max3A_131 : vector<250xf32> to vector<250x1xf32>
    %max3A_133 = arith.maximumf %broadcast_in_dim3A_132, %mul3A_121 : vector<250x1xf32>
    %sub3A_134 = vector.broadcast %max3A_133 : vector<250x1xf32> to vector<250x32xf32>
    %sub3A_135 = arith.subf %select_n3A, %sub3A_134 : vector<250x32xf32>
    %exp3A_136 = math.exp %sub3A_135 : vector<250x32xf32>
    %sub3A_137 = arith.subf %mul3A_121, %max3A_133 : vector<250x1xf32>
    %exp3A_138 = math.exp %sub3A_137 : vector<250x1xf32>
    %reduce_sum3A_139 = arith.constant dense<0.000000e+00> : vector<250xf32>
    %reduce_sum3A_140 = vector.multi_reduction <add>, %exp3A_136, %reduce_sum3A_139 [1] : vector<250x32xf32> to vector<250xf32>
    %broadcast_in_dim3A_141 = vector.shape_cast %reduce_sum3A_140 : vector<250xf32> to vector<250x1xf32>
    %add3A_142 = arith.addf %exp3A_138, %broadcast_in_dim3A_141 : vector<250x1xf32>
    %div3A_143 = vector.broadcast %add3A_142 : vector<250x1xf32> to vector<250x32xf32>
    %div3A_144 = arith.divf %exp3A_136, %div3A_143 : vector<250x32xf32>
    %div3A_145 = arith.divf %exp3A_138, %add3A_142 : vector<250x1xf32>
    %mul3A_146 = vector.broadcast %div3A_145 : vector<250x1xf32> to vector<250x128xf32>
    %mul3A_147 = arith.mulf %mul3A_146, %dot_general3A_95 : vector<250x128xf32>
    %broadcast_in_dim3A_148 = vector.shape_cast %div3A_144 : vector<250x32xf32> to vector<250x32x1xf32>
    %mul3A_149 = vector.broadcast %broadcast_in_dim3A_148 : vector<250x32x1xf32> to vector<250x32x128xf32>
    %mul3A_150 = arith.mulf %mul3A_149, %mul3A_105 : vector<250x32x128xf32>
    %reduce_sum3A_151 = arith.constant dense<0.000000e+00> : vector<250x128xf32>
    %reduce_sum3A_152 = vector.multi_reduction <add>, %mul3A_150, %reduce_sum3A_151 [1] : vector<250x32x128xf32> to vector<250x128xf32>
    %add3A_153 = arith.addf %mul3A_147, %reduce_sum3A_152 : vector<250x128xf32>
    %get3A_154 = arith.constant 0 : index
    %get3A_155 = arith.constant 0 : index
    %get3A_156 = vector.load %arg16[%get3A_154, %get3A_155] : memref<128x128xf32, #tpu.memory_space<vmem>>, vector<128x128xf32>
    %dot_general3A_157 = arith.constant dense<0.000000e+00> : vector<250x128xf32>
    %dot_general3A_158 = tpu.matmul %add3A_153, %get3A_156, %dot_general3A_157 {dimension_numbers = #tpu.dot_dimension_numbers<[1], [0], [0], [1], [0, 0, 1, 1], [], []>, transpose_lhs_hint = false} : vector<250x128xf32>, vector<128x128xf32>, vector<250x128xf32> -> vector<250x128xf32>
    %broadcast_in_dim3A_159 = vector.shape_cast %dot_general3A_158 : vector<250x128xf32> to vector<1x250x128xf32>
    %swap3A_160 = arith.constant 0 : index
    %swap3A_161 = arith.constant 0 : index
    %swap3A_162 = arith.constant 0 : index
    %swap3A_163 = vector.load %arg18[%swap3A_160, %swap3A_161, %swap3A_162] : memref<1x250x128xf32, #tpu.memory_space<vmem>>, vector<1x250x128xf32>
    tpu.vector_store %arg18[%swap3A_160, %swap3A_161, %swap3A_162], %broadcast_in_dim3A_159 {strides = array<i32>} : memref<1x250x128xf32, #tpu.memory_space<vmem>>, vector<1x250x128xf32>,
    return
  }
  func.func @transform_0(%arg0: i32, %arg1: i32) -> (i32, i32, i32) {
    %mul3A = arith.constant 5 : i32
    %mul3A_0 = arith.muli %arg0, %mul3A : i32
    %add3A = arith.addi %mul3A_0, %arg1 : i32
    %c0_i32 = arith.constant 0 : i32
    %c0_i32_1 = arith.constant 0 : i32
    %c0_i32_2 = arith.constant 0 : i32
    return %add3A, %c0_i32, %c0_i32_1 : i32, i32, i32
  }
  func.func @transform_1(%arg0: i32, %arg1: i32) -> (i32, i32, i32) {
    %mul3A = arith.constant 5 : i32
    %mul3A_0 = arith.muli %arg0, %mul3A : i32
    %add3A = arith.addi %mul3A_0, %arg1 : i32
    %c0_i32 = arith.constant 0 : i32
    %c0_i32_1 = arith.constant 0 : i32
    %c0_i32_2 = arith.constant 0 : i32
    return %add3A, %c0_i32, %c0_i32_1 : i32, i32, i32
  }
  func.func @transform_2(%arg0: i32, %arg1: i32) -> (i32, i32, i32) {
    %c0_i32 = arith.constant 0 : i32
    %c0_i32_0 = arith.constant 0 : i32
    %c0_i32_1 = arith.constant 0 : i32
    return %arg0, %c0_i32, %c0_i32_0 : i32, i32, i32
  }
  func.func @transform_3(%arg0: i32, %arg1: i32) -> (i32, i32, i32) {
    %mul3A = arith.constant 5 : i32
    %mul3A_0 = arith.muli %arg0, %mul3A : i32
    %add3A = arith.addi %mul3A_0, %arg1 : i32
    %c0_i32 = arith.constant 0 : i32
    %c0_i32_1 = arith.constant 0 : i32
    %c0_i32_2 = arith.constant 0 : i32
    return %add3A, %c0_i32, %c0_i32_1 : i32, i32, i32
  }
  func.func @transform_4(%arg0: i32, %arg1: i32) -> (i32, i32, i32) {
    %mul3A = arith.constant 5 : i32
    %mul3A_0 = arith.muli %arg0, %mul3A : i32
    %add3A = arith.addi %mul3A_0, %arg1 : i32
    %c0_i32 = arith.constant 0 : i32
    %c0_i32_1 = arith.constant 0 : i32
    %c0_i32_2 = arith.constant 0 : i32
    return %add3A, %c0_i32, %c0_i32_1 : i32, i32, i32
  }
  func.func @transform_5(%arg0: i32, %arg1: i32) -> (i32, i32, i32, i32) {
    %c0_i32 = arith.constant 0 : i32
    %c0_i32_0 = arith.constant 0 : i32
    %c0_i32_1 = arith.constant 0 : i32
    return %arg0, %arg1, %c0_i32, %c0_i32_0 : i32, i32, i32, i32
  }
  func.func @transform_6(%arg0: i32, %arg1: i32) -> (i32, i32) {
    %mul3A = arith.constant 5 : i32
    %mul3A_0 = arith.muli %arg0, %mul3A : i32
    %add3A = arith.addi %mul3A_0, %arg1 : i32
    %c0_i32 = arith.constant 0 : i32
    %c0_i32_1 = arith.constant 0 : i32
    return %add3A, %c0_i32 : i32, i32
  }
  func.func @transform_7(%arg0: i32, %arg1: i32) -> (i32, i32) {
    %c0_i32 = arith.constant 0 : i32
    %c0_i32_0 = arith.constant 0 : i32
    %c0_i32_1 = arith.constant 0 : i32
    return %c0_i32, %c0_i32_0 : i32, i32
  }
  func.func @transform_8(%arg0: i32, %arg1: i32) -> i32 {
    %c0_i32 = arith.constant 0 : i32
    %c0_i32_0 = arith.constant 0 : i32
    return %c0_i32 : i32
  }
  func.func @transform_9(%arg0: i32, %arg1: i32) -> (i32, i32) {
    %c0_i32 = arith.constant 0 : i32
    %c0_i32_0 = arith.constant 0 : i32
    %c0_i32_1 = arith.constant 0 : i32
    return %c0_i32, %c0_i32_0 : i32, i32
  }
  func.func @transform_10(%arg0: i32, %arg1: i32) -> i32 {
    %c0_i32 = arith.constant 0 : i32
    %c0_i32_0 = arith.constant 0 : i32
    return %c0_i32 : i32
  }
  func.func @transform_11(%arg0: i32, %arg1: i32) -> (i32, i32) {
    %c0_i32 = arith.constant 0 : i32
    %c0_i32_0 = arith.constant 0 : i32
    %c0_i32_1 = arith.constant 0 : i32
    return %c0_i32, %c0_i32_0 : i32, i32
  }
  func.func @transform_12(%arg0: i32, %arg1: i32) -> (i32, i32) {
    %c0_i32 = arith.constant 0 : i32
    %c0_i32_0 = arith.constant 0 : i32
    %c0_i32_1 = arith.constant 0 : i32
    return %c0_i32, %c0_i32_0 : i32, i32
  }
  func.func @transform_13(%arg0: i32, %arg1: i32) -> (i32, i32) {
    %c0_i32 = arith.constant 0 : i32
    %c0_i32_0 = arith.constant 0 : i32
    %c0_i32_1 = arith.constant 0 : i32
    return %c0_i32, %c0_i32_0 : i32, i32
  }
  func.func @transform_14(%arg0: i32, %arg1: i32) -> (i32, i32) {
    %c0_i32 = arith.constant 0 : i32
    %c0_i32_0 = arith.constant 0 : i32
    %c0_i32_1 = arith.constant 0 : i32
    return %c0_i32, %c0_i32_0 : i32, i32
  }
  func.func @transform_15(%arg0: i32, %arg1: i32) -> (i32, i32, i32, i32) {
    %c0_i32 = arith.constant 0 : i32
    %c0_i32_0 = arith.constant 0 : i32
    %c0_i32_1 = arith.constant 0 : i32
    return %arg0, %arg1, %c0_i32, %c0_i32_0 : i32, i32, i32, i32
  }
  func.func @transform_16(%arg0: i32, %arg1: i32) -> (i32, i32, i32) {
    %mul3A = arith.constant 5 : i32
    %mul3A_0 = arith.muli %arg0, %mul3A : i32
    %add3A = arith.addi %mul3A_0, %arg1 : i32
    %c0_i32 = arith.constant 0 : i32
    %c0_i32_1 = arith.constant 0 : i32
    %c0_i32_2 = arith.constant 0 : i32
    return %add3A, %c0_i32, %c0_i32_1 : i32, i32, i32
  }
}

</mosaic_0001>

<sc_bundles>
// kernel: kernel.4.cloned.1.call-start
scs
__scs_entry_jumppad:
0x0: {  	(pc) =	sbr.rel $0x88, $3  }
0x1: {  	(tag) =	ssettag $0x0;
	lr =	simm.s32 $0x1  }
0x2: {  	[smem:$0x3F92] =	sst lr;
	_ =	strace $0xD0000000  }
0x3: {  	_ = 	snop  }
0x4: {  	_ = 	snop  }
0x5: {  	_ = 	snop  }
0x6: {  	_ = 	snop  }
0x7: {  	_ = 	snop  }
__scs_overlays_trampoline_lowered:
0x8: {  	[smem:$0x3FA1] =	sst s0  }
0x9: {  	[smem:$0x3FA2] =	sst s1  }
0xa: {  	[smem:$0x3FA3] =	sst s2  }
0xb: {  	[smem:$0x3FA4] =	sst s3  }
0xc: {  	[smem:$0x3FA5] =	sst s4  }
0xd: {  	[smem:$0x3FA6] =	sst s5  }
0xe: {  	[smem:$0x3FA7] =	sst s6  }
0xf: {  	[smem:$0x3FA8] =	sst s7  }
0x10: {  	[smem:$0x3FA9] =	sst s8  }
0x11: {  	[smem:$0x3FAA] =	sst s9;
	s0 =	simm.s32 @!p0 $0x0  }
0x12: {  	s1 =	sld [smem:$0x3F90];
	s0 =	simm.s32 @p0 $0x1  }
0x13: {  	[smem:$0x3FAB] =	sst s0;
	s0 =	simm.s32 @!p1 $0x0  }
0x14: {  	s2 =	sld [smem:$0x3F8F];
	s0 =	simm.s32 @p1 $0x1  }
0x15: {  	[smem:$0x3FAC] =	sst s0;
	s0 =	simm.s32 @!p2 $0x0  }
0x16: {  	s3 =	sld [smem:$0x3FDB];
	s0 =	simm.s32 @p2 $0x1  }
0x17: {  	s4 =	simm.s32 $0x1BF5;
	[smem:$0x3FAE] =	sst s0  }
0x18: {  	s0 =	sld [smem:$0x3F91];
	_ =	swait.ge [sflag:s4], $0x0  }
0x19: {  	s7 =	sld [smem:$0x3F92]  }
0x1a: {  	s8 =	sadd.s32 $0xFFFFE003, lr  }
0x1b: {  	s9 =	sadd.s32 $0xFFFFFEF7, lr;
	s5 =	simm.s32 $0xFFFFFFFF;
	p2 =	slt.u32 s8, $0xFFFFF086  }
0x1c: {  	p1 =	slt.u32 s9, $0xF7A;
	s5 =	simm.s32 @!p2 $0x0  }
0x1d: {  	s5 =	simm.s32 @p1 $0x1;
	p0 =	seq.s32 s7, s2  }
0x1e: {  	s7 =	smul.u32 @!p0 $0xF7A, s2;
	p2 =	seq.s32 @!p0 s5, $0x0  }
0x1f: {  	s9 =	smul.u32 $0xF7A, s1;
	s8 =	simm.s32 @!p0 $0x1BF5;
	p2 =	por !p2, p0  }
0x20: {  	[sflag:s8] =	ssyncset.s32 @!p0 $0xFFFFF086;
	s6 =	sadd.s32 @!p0 s3, s7;
	s7 =	simm.s32 @!p0 $0x108  }
0x21: {  	s3 =	sadd.s32 s3, s9;
	s6 =	sadd.s32 @!p0 $0x88, s6;
	s7 =	simm.s32 @p2 $0x1082  }
0x22: {  	[simem:s7], [sflag:s8] =	dma.local @!p0 [hbm:s6], $0xF7A  }
0x23: {  	s9 =	sor.u32 $0xD0000000, s2;
	s6 =	simm.s32 $0x108;
	_ =	swait.ge @!p0 [sflag:s8], $0x0  }
0x24: {  	s3 =	sadd.s32 $0x88, s3;
	s6 =	simm.s32 @!p1 $0x1082;
	[sflag:s4] =	ssyncset.s32 $0xFFFFF086  }
0x25: {  	[simem:s6], [sflag:s4] =	dma.local [hbm:s3], $0xF7A  }
0x26: {  	[smem:$0x3F92] =	sst s1;
	(tag) =	ssettag s2;
	_ =	strace s9  }
0x27: {  	s1 =	sld [smem:$0x3FA2]  }
0x28: {  	s2 =	sld [smem:$0x3FA3]  }
0x29: {  	s4 =	sld [smem:$0x3FA5]  }
0x2a: {  	p0 =	seq.s32 s5, $0x0;
	s5 =	sld [smem:$0x3FA6]  }
0x2b: {  	s6 =	sld [smem:$0x3FA7]  }
0x2c: {  	s7 =	sld [smem:$0x3FA8]  }
0x2d: {  	s3 =	simm.s32 $0x108;
	s8 =	sld [smem:$0x3FA9]  }
0x2e: {  	s3 =	simm.s32 @!p0 $0x1082;
	s9 =	sld [smem:$0x3FAA]  }
0x2f: {  	lr =	sadd.s32 s0, s3;
	s0 =	sld [smem:$0x3FA1]  }
0x30: {  	s3 =	sld [smem:$0x3FA4]  }
0x31: {  	[smem:$0x3FAD] =	sst s10  }
0x32: {  	s10 =	sld [smem:$0x3FAB];
	_ =	sdelay $0x3  }
0x33: {  	p0 =	seq.s32 s10, $0x1;
	s10 =	sld [smem:$0x3FAD];
	_ =	sdelay $0x3  }
0x34: {  	[smem:$0x3FAD] =	sst s10  }
0x35: {  	s10 =	sld [smem:$0x3FAC];
	_ =	sdelay $0x3  }
0x36: {  	p1 =	seq.s32 s10, $0x1;
	s10 =	sld [smem:$0x3FAD];
	_ =	sdelay $0x3  }
0x37: {  	[smem:$0x3FAD] =	sst s10  }
0x38: {  	s10 =	sld [smem:$0x3FAE]  }
0x39: {  	_ = 	snop;
	(pc) =	sbr.ind lr, $3  }
0x3a: {  	_ = 	snop  }
0x3b: {  	_ = 	snop  }
0x3c: {  	p2 =	seq.s32 s10, $0x1;
	s10 =	sld [smem:$0x3FAD]  }
0x3d: {  	_ =	shalt  }
0x3e: {  	_ =	shalt  }
0x3f: {  	_ =	shalt  }
0x40: {  	_ =	shalt  }
0x41: {  	_ =	shalt  }
0x42: {  	_ =	shalt  }
0x43: {  	_ =	shalt  }
0x44: {  	_ =	shalt  }
0x45: {  	_ =	shalt  }
0x46: {  	_ =	shalt  }
0x47: {  	_ =	shalt  }
0x48: {  	_ =	shalt  }
0x49: {  	_ =	shalt  }
0x4a: {  	_ =	shalt  }
0x4b: {  	_ =	shalt  }
0x4c: {  	_ =	shalt  }
0x4d: {  	_ =	shalt  }
0x4e: {  	_ =	shalt  }
0x4f: {  	_ =	shalt  }
0x50: {  	_ =	shalt  }
0x51: {  	_ =	shalt  }
0x52: {  	_ =	shalt  }
0x53: {  	_ =	shalt  }
0x54: {  	_ =	shalt  }
0x55: {  	_ =	shalt  }
0x56: {  	_ =	shalt  }
0x57: {  	_ =	shalt  }
0x58: {  	_ =	shalt  }
0x59: {  	_ =	shalt  }
0x5a: {  	_ =	shalt  }
0x5b: {  	_ =	shalt  }
0x5c: {  	_ =	shalt  }
0x5d: {  	_ =	shalt  }
0x5e: {  	_ =	shalt  }
0x5f: {  	_ =	shalt  }
0x60: {  	_ =	shalt  }
0x61: {  	_ =	shalt  }
0x62: {  	_ =	shalt  }
0x63: {  	_ =	shalt  }
0x64: {  	_ =	shalt  }
0x65: {  	_ =	shalt  }
0x66: {  	_ =	shalt  }
0x67: {  	_ =	shalt  }
0x68: {  	_ =	shalt  }
0x69: {  	_ =	shalt  }
0x6a: {  	_ =	shalt  }
0x6b: {  	_ =	shalt  }
0x6c: {  	_ =	shalt  }
0x6d: {  	_ =	shalt  }
0x6e: {  	_ =	shalt  }
0x6f: {  	_ =	shalt  }
0x70: {  	_ =	shalt  }
0x71: {  	_ =	shalt  }
0x72: {  	_ =	shalt  }
0x73: {  	_ =	shalt  }
0x74: {  	_ =	shalt  }
0x75: {  	_ =	shalt  }
0x76: {  	_ =	shalt  }
0x77: {  	_ =	shalt  }
0x78: {  	_ =	shalt  }
0x79: {  	_ =	shalt  }
0x7a: {  	_ =	shalt  }
0x7b: {  	_ =	shalt  }
0x7c: {  	_ =	shalt  }
0x7d: {  	_ =	shalt  }
0x7e: {  	_ =	shalt  }
0x7f: {  	_ =	shalt  }
0x80: {  	_ =	shalt  }
0x81: {  	_ =	shalt  }
0x82: {  	_ =	shalt  }
0x83: {  	_ =	shalt  }
0x84: {  	_ =	shalt  }
0x85: {  	_ =	shalt  }
0x86: {  	_ =	shalt  }
0x87: {  	_ =	shalt  }
.Lfunc_end0:
.L_simem_size_0:
called_computation_lowered:
.L_overlay_start_0:
0x88: {  	s2 =	sld [smem:$0x3FD9]  }
0x89: {  	s3 =	sld [smem:$0x3FFE];
	_ =	sdelay $0x1  }
0x8a: {  	s1 =	srdreg.scid  }
0x8b: {  	s0 =	sand.u32 $0x1, s1  }
0x8c: {  	s14 =	sshll.u32 s0, $0xA;
	s2 =	sadd.s32 s3, s2  }
0x8d: {  	s2 =	sadd.s32 s2, s14  }
0x8e: {  	[smem:$0x3FB9] =	sst s2  }
0x8f: {  	_ = 	snop  }
0x90: {  	s2 =	sld [smem:$0x3FD0];
	_ =	sdelay $0x2  }
0x91: {  	s15 =	simm.s32 $0xA;
	s4 =	simm.s32 $0x10  }
0x92: {  	[smem:s4], [sflag:s15] =	dma.local [hbm:s2], $0x1  }
0x93: {  	_ =	swait.eq [sflag:s15], $0x1  }
0x94: {  	[sflag:s15] =	ssyncset.done $0x0  }
0x95: {  	[sflag:s15] =	ssyncadd.s32 $0xFFFFFFFF  }
0x96: {  	s16 =	sld [smem:$0x10];
	(tm) =	ssettm $0x1  }
0x97: {  	s17 =	sld [smem:$0x3FFB];
	_ =	sdelay $0x3  }
0x98: {  	_ =	strace s17  }
0x99: {  	s3 =	sld [smem:$0x3FFC];
	_ =	sdelay $0x3  }
0x9a: {  	_ =	strace s3  }
0x9b: {  	s3 =	sld [smem:$0x3FFD];
	_ =	sdelay $0x3  }
0x9c: {  	_ =	strace s3  }
0x9d: {  	_ =	strace $0x8FFFFFFF  }
0x9e: {  	s18 =	sld [smem:$0x3FDB];
	_ =	sdelay $0x1  }
0x9f: {  	s19 =	simm.s32 $_scs_section_size  }
0xa0: {  	s5 =	simm.s32 $_size__tile_overlayer_lowered;
	s6 =	simm.s32 $_tile_overlayer_lowered  }
0xa1: {  	s22 =	simm.s32 $0x1BFF;
	s21 =	sshll.u32 s6, $0x1;
	s3 =	sadd.s32 s19, s18  }
0xa2: {  	s7 =	simm.s32 $0x0;
	s20 =	sshll.u32 s5, $0x1;
	s5 =	sadd.s32 s21, s3  }
0xa3: {  	[timem:s7], [sflag:s22] =	dma.local [hbm:s5], s20  }
0xa4: {  	_ =	swait.ge [sflag:s22], s20  }
0xa5: {  	s4 =	ssub.s32 $0x0, s20;
	[sflag:s22] =	ssyncset.done $0x0  }
0xa6: {  	[sflag:s22] =	ssyncadd.s32 s4;
	_ =	sdelay $0x1  }
0xa7: {  	s23 =	simm.s32 $0x1B8B  }
0xa8: {  	_ =	swait.ge [sflag:s23], $0x1  }
0xa9: {  	[sflag:s23] =	ssyncset.done $0x0  }
0xaa: {  	s25 =	simm.s32 $0x1B8E;
	s24 =	sld [smem:$0x3FFE];
	[sflag:s23] =	ssyncadd.s32 $0xFFFFFFFF  }
0xab: {  	s26 =	simm.s32 $execute0_lowered;
	[smem:$0x3FD2] =	sst s25  }
0xac: {  	s5 =	sshll.u32 s26, $0x1;
	_ =	strace $0x80000046;
	[dreg:$0x1] =	wrdreg $0xFFFFFFFF  }
0xad: {  	s28 =	simm.s32 $_size_execute0_lowered;
	s3 =	sadd.s32 s3, s5;
	[dreg:$0x0] =	wrdreg $0x0  }
0xae: {  	s5 =	sshll.u32 s28, $0x1;
	[dreg:$0x2] =	wrdreg s3  }
0xaf: {  	[dreg:$0x3] =	wrdreg s5  }
0xb0: {  	[dreg:$0x4] =	wrdreg $0xC0  }
0xb1: {  	_ =	task [dreg:s7], $0x5FFFF  }
0xb2: {  	[dreg:$0x1] =	wrdreg $0xFFFFFFFF  }
0xb3: {  	[dreg:$0x0] =	wrdreg $0x60  }
0xb4: {  	[dreg:$0x2] =	wrdreg s16  }
0xb5: {  	[dreg:$0x3] =	wrdreg s24  }
0xb6: {  	[dreg:$0x4] =	wrdreg $0x9  }
0xb7: {  	_ =	task.clear_ibuf [dreg:s7], $0x5FFFF;
	_ =	strace $0x90000046  }
0xb8: {  	s29 =	simm.s32 $0x9;
	_ =	strace $0x80000048  }
0xb9: {  	_ =	swait.ge [sflag:s29], $0x1  }
0xba: {  	[sflag:s29] =	ssyncadd.s32 $0xFFFFFFFF  }
0xbb: {  	_ =	strace $0x90000048  }
0xbc: {  	_ =	sfence  }
0xbd: {  	s30 =	sld [smem:$0x0];
	_ =	sdelay $0x2  }
0xbe: {  	s31 =	sshll.u32 s1, $0xD;
	s1 =	sshrl.u32 s1, $0x2  }
0xbf: {  	s3 =	sand.u32 $0x4000, s31;
	s1 =	sadd.s32 s1, s30  }
0xc0: {  	s0 =	sor.u32 s3, s0;
	s1 =	sshll.u32 s1, $0x11  }
0xc1: {  	s0 =	sor.u32 s1, s0  }
0xc2: {  	s0 =	sadd.s32 $0x8F2B, s0  }
0xc3: {  	[sflag:s0] =	ssyncadd.remote.s32 $0x1  }
0xc4: {  	_ =	sfence.sel $0xFFFF  }
0xc5: {  	[dreg:$0x0] =	wrdreg $0xFFFFFFFF;
	(pc) =	sbr.abs _section_cstart, $3  }
0xc6: {  	[dreg:$0x1] =	wrdreg $0xFFFFFFFF  }
0xc7: {  	_ =	task.clear_ibuf [dreg:s7], $0x2FFFF;
	_ =	strace $0x9FFFFFFF  }
0xc8: {  	(tm) =	ssettm $0x7FFFFFFF  }
0xc9: {  	_ =	shalt  }
tec
execute0_lowered:
.L_overlay_start_1:
0x0: {  	(tag) =	ssettag $0x1  }
0x1: {  	s2 =	rddreg [dreg:$0x0];
	s1 =	srdreg.scid  }
0x2: {  	s0 =	stileid.u32;
	s4 =	rddreg [dreg:$0x1]  }
0x3: {  	s3 =	simm.s32 $0x0;
	s12 =	simm.s32 $0x2780;
	s13 =	simm.s32 $0x4F80  }
0x4: {  	s14 =	simm.s32 $0x1;
	s15 =	simm.s32 $0x3;
	s16 =	simm.s32 $0xA0  }
0x5: {  	s18 =	simm.s32 $0x4;
	s19 =	simm.s32 $0x0;
	s6 =	sand.u32 $0x1, s1  }
0x6: {  	s1 =	rddreg [dreg:$0x2];
	s8 =	sshrl.u32 s0, $0x1;
	s31 =	smul.u32 $0x4E200, s0  }
0x7: {  	s5 =	sshll.u32 s0, $0x1;
	[smem:$0x7FF] =	sst s3;
	s17 =	smul.u32 $0x4E2, s8  }
0x8: {  	s5 =	sor.u32 s6, s5;
	s9 =	ssub.s32 $0x2, s6;
	s11 =	smul.u32 $0x27100, s6  }
0x9: {  	s10 =	sadd.s32 $0xC800, s4;
	s7 =	smul.u32 $0x2710, s5;
	s30 =	sshrl.u32 s9, $0x1  }
0xa: {  	_ =	strace $0x80000047;
	s5 =	smul.u32 $0x27100, s5;
	s8 =	ssub.s32 s9, s30  }
0xb: {  	s9 =	sadd.s32 s31, s10;
	v0 =	vmov s17;
	s17 =	simm.s32 $0x2;
	s7 =	sshrl.u32 s7, $0x3  }
0xc: {  	s5 =	sadd.s32 s10, s5;
	s6 =	smax.u32 s8, $0x1;
	s9 =	sadd.s32 s11, s9  }
0xd: {  	s10 =	simm.s32 $0x5;
	s11 =	simm.s32 $0x50;
	s7 =	sadd.s32 s7, s4  }
0xe: {  	s8 =	sadd.s32 $0x26C00, s5;
	s4 =	sadd.s32 $0x2A00, s7;
	s7 =	sadd.s32 $0x500, s5  }
.LBB2_1:
0xf: {  	[tilespmem:s3], [sflag:$0x5] =	stream.linear.gather [hbm4b:s4+s3], $0x2710, $0x38;
	[tilespmem:$0x7780] =	vst v63  }
0x10: {  	_ =	swait.ge [sflag:s10], $0x2710  }
0x11: {  	[sflag:s10] =	ssyncset.done $0x0  }
0x12: {  	s20 =	simm.s32 $0x0;
	s21 =	simm.s32 $0x40;
	[sflag:s10] =	ssyncadd.s32 $0xFFFFD8F0  }
.LBB2_2:
0x13: {  	p0 =	sne.s32 s21, $0x9C00;
	v1 =	vld [tilespmem:s20+$0x0];
	_ =	sdelay $0x1  }
.Ltmp0:
0x14: {  	(pc) =	sbr.rel @p0 .LBB2_2-.Ltmp0, $3  }
0x15: {  	_ =	sdelay $0x1  }
0x16: {  	v1 =	vadd.s32 v0, v1  }
0x17: {  	[tilespmem:s20+$0x0] =	vst v1;
	s20 =	sshra.s32 s21, $0x2;
	s21 =	sadd.s32 $0x40, s21  }
0x18: {  	v1 =	vld [tilespmem:s20+$0x0];
	_ =	sdelay $0x4  }
0x19: {  	v1 =	vadd.s32 v0, v1  }
0x1a: {  	s28 =	simm.s32 $0x0;
	[tilespmem:s20+$0x0] =	vst v1  }
0x1b: {  	[tilespmem:s12], [sflag:$0x1] =	stream.indirect.gather [hbm4b:s2+s11], $0x80, s28, s11, $0xb8;
	[tilespmem:$0x7780] =	vst v63  }
0x1c: {  	_ = 	snop  }
0x1d: {  	[tilespmem:s13], [sflag:$0x2] =	stream.indirect.gather [hbm4b:s2+s11], $0x80, s11, s11, $0xb8;
	[tilespmem:$0x7780] =	vst v63  }
0x1e: {  	_ =	swait.ge [sflag:s14], $0x2800  }
0x1f: {  	[sflag:s14] =	ssyncset.done $0x0  }
0x20: {  	[sflag:s14] =	ssyncadd.s32 $0xFFFFD800  }
0x21: {  	[hbm4b:s5+s28] =	stream.linear.scatter [tilespmem:s12], [sflag:$0x3], $0x2800, $0x38;
	[tilespmem:$0x7780] =	vst v63  }
0x22: {  	_ =	swait.ge [sflag:s15], $0x2800  }
0x23: {  	[sflag:s15] =	ssyncset.done $0x0  }
0x24: {  	[sflag:s15] =	ssyncadd.s32 $0xFFFFD800  }
0x25: {  	[tilespmem:s12], [sflag:$0x1] =	stream.indirect.gather [hbm4b:s2+s11], $0x80, s16, s11, $0xb8;
	[tilespmem:$0x7780] =	vst v63  }
0x26: {  	_ =	swait.ge [sflag:s17], $0x2800  }
0x27: {  	[sflag:s17] =	ssyncset.done $0x0  }
0x28: {  	[sflag:s17] =	ssyncadd.s32 $0xFFFFD800  }
0x29: {  	[hbm4b:s7+s28] =	stream.linear.scatter [tilespmem:s13], [sflag:$0x4], $0x2800, $0x38;
	[tilespmem:$0x7780] =	vst v63  }
0x2a: {  	_ =	swait.ge [sflag:s18], $0x2800  }
0x2b: {  	[sflag:s18] =	ssyncset.done $0x0  }
0x2c: {  	s29 =	simm.s32 $0xF0;
	[sflag:s18] =	ssyncadd.s32 $0xFFFFD800  }
0x2d: {  	[tilespmem:s13], [sflag:$0x2] =	stream.indirect.gather [hbm4b:s2+s11], $0x80, s29, s11, $0xb8;
	[tilespmem:$0x7780] =	vst v63  }
0x2e: {  	_ =	swait.ge [sflag:s14], $0x2800  }
0x2f: {  	s21 =	sadd.s32 $0x0, s9;
	[sflag:s14] =	ssyncset.done $0x0  }
0x30: {  	s30 =	sadd.s32 $0xA00, s21;
	[sflag:s14] =	ssyncadd.s32 $0xFFFFD800  }
0x31: {  	[hbm4b:s30+s3] =	stream.linear.scatter [tilespmem:s12], [sflag:$0x3], $0x2800, $0x38;
	[tilespmem:$0x7780] =	vst v63  }
0x32: {  	_ =	swait.ge [sflag:s15], $0x2800  }
0x33: {  	[sflag:s15] =	ssyncset.done $0x0  }
0x34: {  	s31 =	simm.s32 $0x140;
	[sflag:s15] =	ssyncadd.s32 $0xFFFFD800  }
0x35: {  	[tilespmem:s12], [sflag:$0x1] =	stream.indirect.gather [hbm4b:s2+s11], $0x80, s31, s11, $0xb8;
	[tilespmem:$0x7780] =	vst v63  }
0x36: {  	_ =	swait.ge [sflag:s17], $0x2800  }
0x37: {  	s22 =	sadd.s32 $0xF00, s21;
	[sflag:s17] =	ssyncset.done $0x0  }
0x38: {  	s21 =	simm.s32 $0x190;
	s20 =	simm.s32 $0xA00;
	[sflag:s17] =	ssyncadd.s32 $0xFFFFD800  }
.LBB2_4:
0x39: {  	[hbm4b:s22+s3] =	stream.linear.scatter [tilespmem:s13], [sflag:$0x4], $0x2800, $0x38;
	[tilespmem:$0x7780] =	vst v63  }
0x3a: {  	s22 =	smov.u32 s20  }
0x3b: {  	p0 =	sne.s32 s20, $0x25800;
	s20 =	sadd.s32 $0xA00, s20;
	_ =	swait.ge [sflag:s18], $0x2800  }
0x3c: {  	[sflag:s18] =	ssyncset.done $0x0  }
0x3d: {  	[sflag:s18] =	ssyncadd.s32 $0xFFFFD800  }
0x3e: {  	[tilespmem:s13], [sflag:$0x2] =	stream.indirect.gather [hbm4b:s2+s11], $0x80, s21, s11, $0xb8;
	[tilespmem:$0x7780] =	vst v63  }
0x3f: {  	_ =	swait.ge [sflag:s14], $0x2800  }
0x40: {  	s22 =	sadd.s32 s22, s9;
	[sflag:s14] =	ssyncset.done $0x0  }
0x41: {  	s23 =	sadd.s32 $0xA00, s22;
	[sflag:s14] =	ssyncadd.s32 $0xFFFFD800  }
0x42: {  	[hbm4b:s23+s3] =	stream.linear.scatter [tilespmem:s12], [sflag:$0x3], $0x2800, $0x38;
	[tilespmem:$0x7780] =	vst v63  }
0x43: {  	_ =	swait.ge [sflag:s15], $0x2800  }
0x44: {  	[sflag:s15] =	ssyncset.done $0x0  }
.Ltmp1:
0x45: {  	s23 =	sadd.s32 $0x50, s21;
	[sflag:s15] =	ssyncadd.s32 $0xFFFFD800;
	(pc) =	sbr.rel @p0 .LBB2_4-.Ltmp1, $4  }
0x46: {  	[tilespmem:s12], [sflag:$0x1] =	stream.indirect.gather [hbm4b:s2+s11], $0x80, s23, s11, $0xb8;
	[tilespmem:$0x7780] =	vst v63  }
0x47: {  	_ =	swait.ge [sflag:s17], $0x2800  }
0x48: {  	[sflag:s17] =	ssyncset.done $0x0  }
0x49: {  	s22 =	sadd.s32 $0xF00, s22;
	s21 =	sadd.s32 $0xA0, s21;
	[sflag:s17] =	ssyncadd.s32 $0xFFFFD800  }
0x4a: {  	[hbm4b:s22+s3] =	stream.linear.scatter [tilespmem:s13], [sflag:$0x4], $0x2800, $0x38;
	[tilespmem:$0x7780] =	vst v63  }
0x4b: {  	_ =	swait.ge [sflag:s14], $0x2800  }
0x4c: {  	[sflag:s14] =	ssyncset.done $0x0  }
0x4d: {  	s19 =	sadd.s32 $0x1, s19;
	[sflag:s14] =	ssyncadd.s32 $0xFFFFD800  }
0x4e: {  	[hbm4b:s8+s3] =	stream.linear.scatter [tilespmem:s12], [sflag:$0x3], $0x2800, $0x38;
	[tilespmem:$0x7780] =	vst v63  }
0x4f: {  	p0 =	sne.s32 s19, s6;
	_ =	swait.ge [sflag:s15], $0x2800  }
.Ltmp2:
0x50: {  	[sflag:s15] =	ssyncset.done $0x0;
	(pc) =	sbr.rel @p0 .LBB2_1-.Ltmp2, $4  }
0x51: {  	[sflag:s15] =	ssyncadd.s32 $0xFFFFD800  }
0x52: {  	_ =	swait.ge [sflag:s18], $0x2800  }
0x53: {  	[sflag:s18] =	ssyncset.done $0x0  }
0x54: {  	[sflag:s18] =	ssyncadd.s32 $0xFFFFD800  }
0x55: {  	_ =	sfence.sel $0x180000  }
0x56: {  	[bflag:$0x0] =	sbarrier.arrive $0xFFFF  }
0x57: {  	p0 =	sne.s32 s0, $0x0;
	_ =	strace $0x90000047  }
0x58: {  	s0 =	sadd.s32 @!p0 $0x100000, s1;
	[bflag:$0x2] =	sbarrier.arrive $0xFFFF  }
0x59: {  	[sflag:s0] =	ssyncadd.tile.s32 @!p0 $0x1;
	_ =	shalt  }
.Lfunc_end2:
_tile_overlayer_lowered:
.L_overlay_start_2:
0x5a: {  	(tag) =	ssettag $0x2  }
0x5b: {  	s0 =	rddreg [dreg:$0x0];
	s2 =	stileid.u32  }
0x5c: {  	s1 =	rddreg [dreg:$0x1];
	p0 =	sne.s32 s2, $0x0  }
0x5d: {  	s3 =	rddreg [dreg:$0x2];
	[bflag:$0x3] =	sbarrier.arrive $0xFFFF;
	s2 =	simm.s32 @!p0 $0x1C05  }
0x5e: {  	[timem:s3], [sflag:s2] =	dma.local @!p0 [hbm:s0], s1  }
0x5f: {  	s0 =	simm.s32 @!p0 $0x5  }
0x60: {  	_ =	swait.ge @!p0 [sflag:s0], s1  }
0x61: {  	s1 =	ssub.s32 @!p0 $0x0, s1;
	[sflag:s0] =	ssyncset.done @!p0 $0x0  }
0x62: {  	[sflag:s0] =	ssyncadd.s32 @!p0 s1  }
0x63: {  	[bflag:$0x3] =	sbarrier.arrive $0xFFFF  }
0x64: {  	_ =	shalt  }

</sc_bundles>
